<compile_context>
chip_gen: v7x
topology: tpu7x:2x2x1
jax: 0.10.2.dev20260603
libtpu: 0.0.44.dev20260713+nightly
codegen_flags: <defaults>
</compile_context>

<pallas_src>
import functools

import jax
import jax.numpy as jnp
from jax.experimental import pallas as pl
from jax.experimental.pallas import tpu as pltpu


def _pick_block(n):
    for r in (1280, 640, 320, 160, 80, 40, 16, 8):
        if n % r == 0:
            return r
    return n


def _fused_kernel(meta_ref, x_ref, w_enc_ref, b_enc_ref,
                  w1_ref, b1_ref, gamma1_ref, beta1_ref, w2_ref, b2_ref,
                  out_ref, acc_ref, *, nb, r, s_total):
    i = pl.program_id(0)

    @pl.when(i == 0)
    def _init():
        acc_ref[...] = jnp.full_like(acc_ref, -jnp.inf)

    emb = jnp.dot(x_ref[...], w_enc_ref[...],
                  preferred_element_type=jnp.float32)

    base = i * r
    rowid = jax.lax.broadcasted_iota(jnp.int32, (r, 1), 0)

    def _seg_of(row):
        def bs(_, lohi):
            lo, hi = lohi
            mid = (lo + hi) // 2
            go = meta_ref[mid] <= row
            return jnp.where(go, mid, lo), jnp.where(go, hi, mid)
        lo, _ = jax.lax.fori_loop(
            0, 10, bs, (jnp.int32(0), jnp.int32(s_total + 1)))
        return lo

    b_first = _seg_of(base)
    b_last = _seg_of(base + r - 1)

    def body(k, _):
        s = b_first + k
        a = meta_ref[s] - base
        e = meta_ref[s + 1] - base
        mask = (rowid >= a) & (rowid < e)
        red = jnp.max(jnp.where(mask, emb, -jnp.inf),
                      axis=0, keepdims=True)
        acc_ref[pl.ds(s, 1), :] = jnp.maximum(acc_ref[pl.ds(s, 1), :], red)
        return 0

    jax.lax.fori_loop(0, b_last - b_first + 1, body, 0)

    @pl.when(i == nb - 1)
    def _final():
        g = acc_ref[...] + b_enc_ref[...]
        h = jnp.dot(g, w1_ref[...],
                    preferred_element_type=jnp.float32) + b1_ref[...]
        mu = jnp.mean(h, axis=-1, keepdims=True)
        var = jnp.mean((h - mu) * (h - mu), axis=-1, keepdims=True)
        h = (h - mu) * jax.lax.rsqrt(var + 1e-5) * gamma1_ref[...] \
            + beta1_ref[...]
        h = jnp.maximum(h, 0.0)
        out_ref[...] = jnp.dot(h, w2_ref[...],
                               preferred_element_type=jnp.float32) \
            + b2_ref[...]


def kernel(x, batch, W_enc, b_enc, W1, b1, gamma1, beta1, W2, b2):
    n, d = x.shape
    h = W1.shape[1]
    nt = W2.shape[1]
    s_total = 512
    r = _pick_block(n)
    nb = n // r

    batch = batch.astype(jnp.int32)
    starts = jax.ops.segment_min(jnp.arange(n, dtype=jnp.int32), batch,
                                 num_segments=s_total,
                                 indices_are_sorted=True)
    off = jnp.concatenate([starts, jnp.full((1,), n, jnp.int32)])
    meta = jnp.flip(jax.lax.cummin(jnp.flip(off)))

    grid_spec = pltpu.PrefetchScalarGridSpec(
        num_scalar_prefetch=1,
        grid=(nb,),
        in_specs=[
            pl.BlockSpec((r, d), lambda i, meta: (i, 0)),
            pl.BlockSpec((d, d), lambda i, meta: (0, 0)),
            pl.BlockSpec((1, d), lambda i, meta: (0, 0)),
            pl.BlockSpec((d, h), lambda i, meta: (0, 0)),
            pl.BlockSpec((1, h), lambda i, meta: (0, 0)),
            pl.BlockSpec((1, h), lambda i, meta: (0, 0)),
            pl.BlockSpec((1, h), lambda i, meta: (0, 0)),
            pl.BlockSpec((h, nt), lambda i, meta: (0, 0)),
            pl.BlockSpec((1, nt), lambda i, meta: (0, 0)),
        ],
        out_specs=pl.BlockSpec((s_total, nt), lambda i, meta: (0, 0)),
        scratch_shapes=[pltpu.VMEM((s_total, d), jnp.float32)],
    )

    fn = functools.partial(_fused_kernel, nb=nb, r=r, s_total=s_total)
    out = pl.pallas_call(
        fn,
        grid_spec=grid_spec,
        out_shape=jax.ShapeDtypeStruct((s_total, nt), jnp.float32),
    )(meta, x, W_enc, b_enc.reshape(1, d),
      W1, b1.reshape(1, h), gamma1.reshape(1, h), beta1.reshape(1, h),
      W2, b2.reshape(1, nt))
    return out

# --- scband reference (transcript-rebuilt; emitter-appended) ---
"""Pipeline reference for scband-hyper-gpredictor-15960098472054 (READ-ONLY COPY).

The authoritative reference and input builder live on the scoring server;
editing this copy changes nothing except your own understanding.
"""

import jax, jax.numpy as jnp
import numpy as np

N = 320000   # total nodes across batched graphs
D = 128      # node feature / embedding_hidden
H = 256      # g_embed_hidden
NT = 10      # num_targets
S = 512      # number of graphs (segments)


def _layer_norm(h, gamma, beta, eps=1e-5):
    mu = jnp.mean(h, axis=-1, keepdims=True)
    var = jnp.var(h, axis=-1, keepdims=True)
    return (h - mu) * jax.lax.rsqrt(var + eps) * gamma + beta


def setup_inputs(seed: int = 0) -> dict:
    key = jax.random.key(seed)
    ks = jax.random.split(key, 8)
    x = jax.random.normal(ks[0], (N, D), dtype=jnp.float32)
    batch = jnp.sort(jax.random.randint(ks[1], (N,), 0, S)).astype(jnp.int32)
    # encoder: single linear layer D -> D (stand-in for hypergraph encoder output head)
    W_enc = jax.random.normal(ks[2], (D, D), dtype=jnp.float32) * 0.05
    b_enc = jnp.zeros((D,), dtype=jnp.float32)
    # classifier MLP: lin(D->H), LayerNorm, relu, lin(H->NT)
    W1 = jax.random.normal(ks[3], (D, H), dtype=jnp.float32) * 0.05
    b1 = jnp.zeros((H,), dtype=jnp.float32)
    gamma1 = jnp.ones((H,), dtype=jnp.float32)
    beta1 = jnp.zeros((H,), dtype=jnp.float32)
    W2 = jax.random.normal(ks[4], (H, NT), dtype=jnp.float32) * 0.05
    b2 = jnp.zeros((NT,), dtype=jnp.float32)
    return {"x": x, "batch": batch, "W_enc": W_enc, "b_enc": b_enc,
            "W1": W1, "b1": b1, "gamma1": gamma1, "beta1": beta1,
            "W2": W2, "b2": b2}


def reference(x, batch, W_enc, b_enc, W1, b1, gamma1, beta1, W2, b2):
    # encoder -> node embeddings
    n_emb = x @ W_enc + b_enc
    # pooling == 'max': safe_scatter_max == segment max with -inf init (include_self)
    g_emb = jax.ops.segment_max(n_emb, batch, num_segments=S)
    # classifier MLP (dropout p=0.0 -> identity)
    h = g_emb @ W1 + b1
    h = _layer_norm(h, gamma1, beta1)
    h = jax.nn.relu(h)
    out = h @ W2 + b2
    return out

if __name__ == "__main__":
    import jax
    _d = setup_inputs()
    print(jax.jit(kernel)(*tuple(_d.values())))

</pallas_src>

<mosaic_0001>
module attributes {stable_mosaic.version = 14 : i64} {
  func.func @_fused_kernel(%arg0: i32, %arg1: memref<513xi32, #tpu.memory_space<smem>>, %arg2: memref<1280x128xf32, #tpu.memory_space<vmem>>, %arg3: memref<128x128xf32, #tpu.memory_space<vmem>>, %arg4: memref<1x128xf32, #tpu.memory_space<vmem>>, %arg5: memref<128x256xf32, #tpu.memory_space<vmem>>, %arg6: memref<1x256xf32, #tpu.memory_space<vmem>>, %arg7: memref<1x256xf32, #tpu.memory_space<vmem>>, %arg8: memref<1x256xf32, #tpu.memory_space<vmem>>, %arg9: memref<256x10xf32, #tpu.memory_space<vmem>>, %arg10: memref<1x10xf32, #tpu.memory_space<vmem>>, %arg11: memref<512x10xf32, #tpu.memory_space<vmem>>, %arg12: memref<512x128xf32, #tpu.memory_space<vmem>>) attributes {dimension_semantics = [#tpu.dimension_semantics<arbitrary>], iteration_bounds = array<i64: 250>, scalar_prefetch = 1 : i64, scratch_operands = 1 : i64, tpu.core_type = #tpu.core_type<tc>, window_params = [{transform_indices = @transform_0, window_bounds = array<i64: 1280, 128>}, {pipeline_mode = #tpu.pipeline_mode<synchronous>, transform_indices = @transform_1, window_bounds = array<i64: 128, 128>}, {pipeline_mode = #tpu.pipeline_mode<synchronous>, transform_indices = @transform_2, window_bounds = array<i64: 1, 128>}, {pipeline_mode = #tpu.pipeline_mode<synchronous>, transform_indices = @transform_3, window_bounds = array<i64: 128, 256>}, {pipeline_mode = #tpu.pipeline_mode<synchronous>, transform_indices = @transform_4, window_bounds = array<i64: 1, 256>}, {pipeline_mode = #tpu.pipeline_mode<synchronous>, transform_indices = @transform_5, window_bounds = array<i64: 1, 256>}, {pipeline_mode = #tpu.pipeline_mode<synchronous>, transform_indices = @transform_6, window_bounds = array<i64: 1, 256>}, {pipeline_mode = #tpu.pipeline_mode<synchronous>, transform_indices = @transform_7, window_bounds = array<i64: 256, 10>}, {pipeline_mode = #tpu.pipeline_mode<synchronous>, transform_indices = @transform_8, window_bounds = array<i64: 1, 10>}, {pipeline_mode = #tpu.pipeline_mode<synchronous>, transform_indices = @transform_9, window_bounds = array<i64: 512, 10>}]} {
    %eq3A = arith.constant 0 : i32
    %eq3A_0 = arith.cmpi eq, %arg0, %eq3A : i32
    %convert_element_type3A = arith.extui %eq3A_0 : i1 to i32
    %cond3A = arith.constant 0 : i32
    %cond3A_1 = arith.cmpi ne, %convert_element_type3A, %cond3A : i32
    scf.if %cond3A_1 {
      %broadcast_in_dim3A = arith.constant 0xFF800000 : f32
      %broadcast_in_dim3A_43 = vector.broadcast %broadcast_in_dim3A : f32 to vector<512x128xf32>
      %swap3A = arith.constant 0 : index
      %swap3A_44 = arith.constant 0 : index
      %swap3A_45 = vector.load %arg12[%swap3A, %swap3A_44] : memref<512x128xf32, #tpu.memory_space<vmem>>, vector<512x128xf32>
      tpu.vector_store %arg12[%swap3A, %swap3A_44], %broadcast_in_dim3A_43 {strides = array<i32>} : memref<512x128xf32, #tpu.memory_space<vmem>>, vector<512x128xf32>,
    } else {
    }
    %get3A = arith.constant 0 : index
    %get3A_2 = arith.constant 0 : index
    %get3A_3 = vector.load %arg2[%get3A, %get3A_2] : memref<1280x128xf32, #tpu.memory_space<vmem>>, vector<1280x128xf32>
    %get3A_4 = arith.constant 0 : index
    %get3A_5 = arith.constant 0 : index
    %get3A_6 = vector.load %arg3[%get3A_4, %get3A_5] : memref<128x128xf32, #tpu.memory_space<vmem>>, vector<128x128xf32>
    %dot_general3A = arith.constant dense<0.000000e+00> : vector<1280x128xf32>
    %dot_general3A_7 = tpu.matmul %get3A_3, %get3A_6, %dot_general3A {dimension_numbers = #tpu.dot_dimension_numbers<[1], [0], [0], [1], [0, 0, 1, 1], [], []>, transpose_lhs_hint = false} : vector<1280x128xf32>, vector<128x128xf32>, vector<1280x128xf32> -> vector<1280x128xf32>
    %mul3A = arith.constant 1280 : i32
    %mul3A_8 = arith.muli %arg0, %mul3A : i32
    %iota3A = tpu.iota {dimensions = array<i32: 0>} : vector<1280x1xi32>
    %scan3A = arith.constant 0 : i32
    %scan3A_9 = arith.constant 513 : i32
    %scan3A_10 = arith.constant 0 : i32
    %scan3A_11 = arith.constant 10 : i32
    %scan3A_12 = arith.addi %scan3A_10, %scan3A_11 : i32
    %scan3A_13 = arith.constant 1 : i32
    %scan3A_14:2 = scf.for %scan3A_43 = %scan3A_10 to %scan3A_12 step %scan3A_13 iter_args(%scan3A_44 = %scan3A, %scan3A_45 = %scan3A_9) -> (i32, i32)  : i32 {
      %add3A_46 = arith.addi %scan3A_44, %scan3A_45 : i32
      %jit3A = arith.constant 2 : i32
      %div3A = arith.divsi %add3A_46, %jit3A : i32
      %sign3A = arith.constant 0 : i32
      %sign3A_47 = arith.cmpi sgt, %add3A_46, %sign3A : i32
      %sign3A_48 = arith.extui %sign3A_47 : i1 to i32
      %sign3A_49 = arith.constant 0 : i32
      %sign3A_50 = arith.cmpi slt, %add3A_46, %sign3A_49 : i32
      %sign3A_51 = arith.extui %sign3A_50 : i1 to i32
      %sign3A_52 = arith.subi %sign3A_48, %sign3A_51 : i32
      %sign3A_53 = arith.constant 0 : i32
      %sign3A_54 = arith.cmpi sgt, %jit3A, %sign3A_53 : i32
      %sign3A_55 = arith.extui %sign3A_54 : i1 to i32
      %sign3A_56 = arith.constant 0 : i32
      %sign3A_57 = arith.cmpi slt, %jit3A, %sign3A_56 : i32
      %sign3A_58 = arith.extui %sign3A_57 : i1 to i32
      %sign3A_59 = arith.subi %sign3A_55, %sign3A_58 : i32
      %ne3A = arith.cmpi ne, %sign3A_52, %sign3A_59 : i32
      %rem3A = arith.remsi %add3A_46, %jit3A : i32
      %ne3A_60 = arith.constant 0 : i32
      %ne3A_61 = arith.cmpi ne, %rem3A, %ne3A_60 : i32
      %and3A = arith.andi %ne3A, %ne3A_61 : i1
      %sub3A_62 = arith.constant 1 : i32
      %sub3A_63 = arith.subi %div3A, %sub3A_62 : i32
      %select_n3A = arith.select %and3A, %sub3A_63, %div3A : i32
      %get3A_64 = arith.index_cast %select_n3A : i32 to index
      %get3A_65 = memref.load %arg1[%get3A_64] : memref<513xi32, #tpu.memory_space<smem>>
      %le3A = arith.cmpi sle, %get3A_65, %mul3A_8 : i32
      %select_n3A_66 = arith.select %le3A, %select_n3A, %scan3A_44 : i32
      %select_n3A_67 = arith.select %le3A, %scan3A_45, %select_n3A : i32
      scf.yield %select_n3A_66, %select_n3A_67 : i32, i32
    }
    %add3A = arith.constant 1280 : i32
    %add3A_15 = arith.addi %mul3A_8, %add3A : i32
    %sub3A = arith.constant 1 : i32
    %sub3A_16 = arith.subi %add3A_15, %sub3A : i32
    %scan3A_17 = arith.constant 0 : i32
    %scan3A_18 = arith.constant 513 : i32
    %scan3A_19 = arith.constant 0 : i32
    %scan3A_20 = arith.constant 10 : i32
    %scan3A_21 = arith.addi %scan3A_19, %scan3A_20 : i32
    %scan3A_22 = arith.constant 1 : i32
    %scan3A_23:2 = scf.for %scan3A_43 = %scan3A_19 to %scan3A_21 step %scan3A_22 iter_args(%scan3A_44 = %scan3A_17, %scan3A_45 = %scan3A_18) -> (i32, i32)  : i32 {
      %add3A_46 = arith.addi %scan3A_44, %scan3A_45 : i32
      %jit3A = arith.constant 2 : i32
      %div3A = arith.divsi %add3A_46, %jit3A : i32
      %sign3A = arith.constant 0 : i32
      %sign3A_47 = arith.cmpi sgt, %add3A_46, %sign3A : i32
      %sign3A_48 = arith.extui %sign3A_47 : i1 to i32
      %sign3A_49 = arith.constant 0 : i32
      %sign3A_50 = arith.cmpi slt, %add3A_46, %sign3A_49 : i32
      %sign3A_51 = arith.extui %sign3A_50 : i1 to i32
      %sign3A_52 = arith.subi %sign3A_48, %sign3A_51 : i32
      %sign3A_53 = arith.constant 0 : i32
      %sign3A_54 = arith.cmpi sgt, %jit3A, %sign3A_53 : i32
      %sign3A_55 = arith.extui %sign3A_54 : i1 to i32
      %sign3A_56 = arith.constant 0 : i32
      %sign3A_57 = arith.cmpi slt, %jit3A, %sign3A_56 : i32
      %sign3A_58 = arith.extui %sign3A_57 : i1 to i32
      %sign3A_59 = arith.subi %sign3A_55, %sign3A_58 : i32
      %ne3A = arith.cmpi ne, %sign3A_52, %sign3A_59 : i32
      %rem3A = arith.remsi %add3A_46, %jit3A : i32
      %ne3A_60 = arith.constant 0 : i32
      %ne3A_61 = arith.cmpi ne, %rem3A, %ne3A_60 : i32
      %and3A = arith.andi %ne3A, %ne3A_61 : i1
      %sub3A_62 = arith.constant 1 : i32
      %sub3A_63 = arith.subi %div3A, %sub3A_62 : i32
      %select_n3A = arith.select %and3A, %sub3A_63, %div3A : i32
      %get3A_64 = arith.index_cast %select_n3A : i32 to index
      %get3A_65 = memref.load %arg1[%get3A_64] : memref<513xi32, #tpu.memory_space<smem>>
      %le3A = arith.cmpi sle, %get3A_65, %sub3A_16 : i32
      %select_n3A_66 = arith.select %le3A, %select_n3A, %scan3A_44 : i32
      %select_n3A_67 = arith.select %le3A, %scan3A_45, %select_n3A : i32
      scf.yield %select_n3A_66, %select_n3A_67 : i32, i32
    }
    %sub3A_24 = arith.subi %scan3A_23#0, %scan3A_14#0 : i32
    %add3A_25 = arith.constant 1 : i32
    %add3A_26 = arith.addi %sub3A_24, %add3A_25 : i32
    %while3A = arith.constant 0 : i32
    %while3A_27 = arith.constant 0 : i32
    %while3A_28 = arith.subi %add3A_26, %while3A : i32
    %while3A_29 = arith.addi %while3A, %while3A_28 : i32
    %while3A_30 = arith.constant 1 : i32
    %while3A_31 = arith.divsi %while3A_28, %while3A_30 : i32
    %while3A_32 = arith.muli %while3A_31, %while3A_30 : i32
    %while3A_33 = arith.addi %while3A, %while3A_32 : i32
    %while3A_34 = arith.constant 1 : i32
    %while3A_35 = scf.for %while3A_43 = %while3A to %while3A_33 step %while3A_34 iter_args(%while3A_44 = %while3A_27) -> (i32)  : i32 {
      %add3A_45 = arith.addi %scan3A_14#0, %while3A_43 : i32
      %get3A_46 = arith.index_cast %add3A_45 : i32 to index
      %get3A_47 = memref.load %arg1[%get3A_46] : memref<513xi32, #tpu.memory_space<smem>>
      %sub3A_48 = arith.subi %get3A_47, %mul3A_8 : i32
      %add3A_49 = arith.constant 1 : i32
      %add3A_50 = arith.addi %add3A_45, %add3A_49 : i32
      %get3A_51 = arith.index_cast %add3A_50 : i32 to index
      %get3A_52 = memref.load %arg1[%get3A_51] : memref<513xi32, #tpu.memory_space<smem>>
      %sub3A_53 = arith.subi %get3A_52, %mul3A_8 : i32
      %ge3A = vector.broadcast %sub3A_48 : i32 to vector<1280x1xi32>
      %ge3A_54 = arith.cmpi sge, %iota3A, %ge3A : vector<1280x1xi32>
      %lt3A = vector.broadcast %sub3A_53 : i32 to vector<1280x1xi32>
      %lt3A_55 = arith.cmpi slt, %iota3A, %lt3A : vector<1280x1xi32>
      %and3A = arith.andi %ge3A_54, %lt3A_55 : vector<1280x1xi1>
      %jit3A = arith.constant 0xFF800000 : f32
      %broadcast_in_dim3A = vector.shape_cast %and3A : vector<1280x1xi1> to vector<1280x1xi1>
      %broadcast_in_dim3A_56 = vector.broadcast %broadcast_in_dim3A : vector<1280x1xi1> to vector<1280x128xi1>
      %broadcast_in_dim3A_57 = vector.broadcast %jit3A : f32 to vector<1280x128xf32>
      %select_n3A = arith.select %broadcast_in_dim3A_56, %dot_general3A_7, %broadcast_in_dim3A_57 : vector<1280x128xi1>, vector<1280x128xf32>
      %reduce_max3A = arith.constant dense<0xFF800000> : vector<128xf32>
      %reduce_max3A_58 = vector.multi_reduction <maximumf>, %select_n3A, %reduce_max3A [0] : vector<1280x128xf32> to vector<128xf32>
      %broadcast_in_dim3A_59 = vector.shape_cast %reduce_max3A_58 : vector<128xf32> to vector<1x128xf32>
      %get3A_60 = arith.index_cast %add3A_45 : i32 to index
      %get3A_61 = arith.constant 0 : index
      %get3A_62 = vector.load %arg12[%get3A_60, %get3A_61] : memref<512x128xf32, #tpu.memory_space<vmem>>, vector<1x128xf32>
      %max3A = arith.maximumf %get3A_62, %broadcast_in_dim3A_59 : vector<1x128xf32>
      %swap3A = arith.index_cast %add3A_45 : i32 to index
      %swap3A_63 = arith.constant 0 : index
      %swap3A_64 = vector.load %arg12[%swap3A, %swap3A_63] : memref<512x128xf32, #tpu.memory_space<vmem>>, vector<1x128xf32>
      tpu.vector_store %arg12[%swap3A, %swap3A_63], %max3A {strides = array<i32>} : memref<512x128xf32, #tpu.memory_space<vmem>>, vector<1x128xf32>,
      %while3A_65 = arith.constant 0 : i32
      scf.yield %while3A_65 : i32
    }
    %while3A_36 = arith.constant 1 : i32
    %while3A_37 = scf.for %while3A_43 = %while3A_33 to %while3A_29 step %while3A_36 iter_args(%while3A_44 = %while3A_35) -> (i32)  : i32 {
      %add3A_45 = arith.addi %scan3A_14#0, %while3A_43 : i32
      %get3A_46 = arith.index_cast %add3A_45 : i32 to index
      %get3A_47 = memref.load %arg1[%get3A_46] : memref<513xi32, #tpu.memory_space<smem>>
      %sub3A_48 = arith.subi %get3A_47, %mul3A_8 : i32
      %add3A_49 = arith.constant 1 : i32
      %add3A_50 = arith.addi %add3A_45, %add3A_49 : i32
      %get3A_51 = arith.index_cast %add3A_50 : i32 to index
      %get3A_52 = memref.load %arg1[%get3A_51] : memref<513xi32, #tpu.memory_space<smem>>
      %sub3A_53 = arith.subi %get3A_52, %mul3A_8 : i32
      %ge3A = vector.broadcast %sub3A_48 : i32 to vector<1280x1xi32>
      %ge3A_54 = arith.cmpi sge, %iota3A, %ge3A : vector<1280x1xi32>
      %lt3A = vector.broadcast %sub3A_53 : i32 to vector<1280x1xi32>
      %lt3A_55 = arith.cmpi slt, %iota3A, %lt3A : vector<1280x1xi32>
      %and3A = arith.andi %ge3A_54, %lt3A_55 : vector<1280x1xi1>
      %jit3A = arith.constant 0xFF800000 : f32
      %broadcast_in_dim3A = vector.shape_cast %and3A : vector<1280x1xi1> to vector<1280x1xi1>
      %broadcast_in_dim3A_56 = vector.broadcast %broadcast_in_dim3A : vector<1280x1xi1> to vector<1280x128xi1>
      %broadcast_in_dim3A_57 = vector.broadcast %jit3A : f32 to vector<1280x128xf32>
      %select_n3A = arith.select %broadcast_in_dim3A_56, %dot_general3A_7, %broadcast_in_dim3A_57 : vector<1280x128xi1>, vector<1280x128xf32>
      %reduce_max3A = arith.constant dense<0xFF800000> : vector<128xf32>
      %reduce_max3A_58 = vector.multi_reduction <maximumf>, %select_n3A, %reduce_max3A [0] : vector<1280x128xf32> to vector<128xf32>
      %broadcast_in_dim3A_59 = vector.shape_cast %reduce_max3A_58 : vector<128xf32> to vector<1x128xf32>
      %get3A_60 = arith.index_cast %add3A_45 : i32 to index
      %get3A_61 = arith.constant 0 : index
      %get3A_62 = vector.load %arg12[%get3A_60, %get3A_61] : memref<512x128xf32, #tpu.memory_space<vmem>>, vector<1x128xf32>
      %max3A = arith.maximumf %get3A_62, %broadcast_in_dim3A_59 : vector<1x128xf32>
      %swap3A = arith.index_cast %add3A_45 : i32 to index
      %swap3A_63 = arith.constant 0 : index
      %swap3A_64 = vector.load %arg12[%swap3A, %swap3A_63] : memref<512x128xf32, #tpu.memory_space<vmem>>, vector<1x128xf32>
      tpu.vector_store %arg12[%swap3A, %swap3A_63], %max3A {strides = array<i32>} : memref<512x128xf32, #tpu.memory_space<vmem>>, vector<1x128xf32>,
      %while3A_65 = arith.constant 0 : i32
      scf.yield %while3A_65 : i32
    }
    %eq3A_38 = arith.constant 249 : i32
    %eq3A_39 = arith.cmpi eq, %arg0, %eq3A_38 : i32
    %convert_element_type3A_40 = arith.extui %eq3A_39 : i1 to i32
    %cond3A_41 = arith.constant 0 : i32
    %cond3A_42 = arith.cmpi ne, %convert_element_type3A_40, %cond3A_41 : i32
    scf.if %cond3A_42 {
      %get3A_43 = arith.constant 0 : index
      %get3A_44 = arith.constant 0 : index
      %get3A_45 = vector.load %arg12[%get3A_43, %get3A_44] : memref<512x128xf32, #tpu.memory_space<vmem>>, vector<512x128xf32>
      %get3A_46 = arith.constant 0 : index
      %get3A_47 = arith.constant 0 : index
      %get3A_48 = vector.load %arg4[%get3A_46, %get3A_47] : memref<1x128xf32, #tpu.memory_space<vmem>>, vector<1x128xf32>
      %add3A_49 = vector.broadcast %get3A_48 : vector<1x128xf32> to vector<512x128xf32>
      %add3A_50 = arith.addf %get3A_45, %add3A_49 : vector<512x128xf32>
      %get3A_51 = arith.constant 0 : index
      %get3A_52 = arith.constant 0 : index
      %get3A_53 = vector.load %arg5[%get3A_51, %get3A_52] : memref<128x256xf32, #tpu.memory_space<vmem>>, vector<128x256xf32>
      %dot_general3A_54 = arith.constant dense<0.000000e+00> : vector<512x256xf32>
      %dot_general3A_55 = tpu.matmul %add3A_50, %get3A_53, %dot_general3A_54 {dimension_numbers = #tpu.dot_dimension_numbers<[1], [0], [0], [1], [0, 0, 1, 1], [], []>, transpose_lhs_hint = false} : vector<512x128xf32>, vector<128x256xf32>, vector<512x256xf32> -> vector<512x256xf32>
      %get3A_56 = arith.constant 0 : index
      %get3A_57 = arith.constant 0 : index
      %get3A_58 = vector.load %arg6[%get3A_56, %get3A_57] : memref<1x256xf32, #tpu.memory_space<vmem>>, vector<1x256xf32>
      %add3A_59 = vector.broadcast %get3A_58 : vector<1x256xf32> to vector<512x256xf32>
      %add3A_60 = arith.addf %dot_general3A_55, %add3A_59 : vector<512x256xf32>
      %reduce_sum3A = arith.constant dense<0.000000e+00> : vector<512xf32>
      %reduce_sum3A_61 = vector.multi_reduction <add>, %add3A_60, %reduce_sum3A [1] : vector<512x256xf32> to vector<512xf32>
      %broadcast_in_dim3A = vector.shape_cast %reduce_sum3A_61 : vector<512xf32> to vector<512x1xf32>
      %div3A = arith.constant 2.560000e+02 : f32
      %div3A_62 = vector.broadcast %div3A : f32 to vector<512x1xf32>
      %div3A_63 = arith.divf %broadcast_in_dim3A, %div3A_62 : vector<512x1xf32>
      %sub3A_64 = vector.broadcast %div3A_63 : vector<512x1xf32> to vector<512x256xf32>
      %sub3A_65 = arith.subf %add3A_60, %sub3A_64 : vector<512x256xf32>
      %sub3A_66 = vector.broadcast %div3A_63 : vector<512x1xf32> to vector<512x256xf32>
      %sub3A_67 = arith.subf %add3A_60, %sub3A_66 : vector<512x256xf32>
      %mul3A_68 = arith.mulf %sub3A_65, %sub3A_67 : vector<512x256xf32>
      %reduce_sum3A_69 = arith.constant dense<0.000000e+00> : vector<512xf32>
      %reduce_sum3A_70 = vector.multi_reduction <add>, %mul3A_68, %reduce_sum3A_69 [1] : vector<512x256xf32> to vector<512xf32>
      %broadcast_in_dim3A_71 = vector.shape_cast %reduce_sum3A_70 : vector<512xf32> to vector<512x1xf32>
      %div3A_72 = arith.constant 2.560000e+02 : f32
      %div3A_73 = vector.broadcast %div3A_72 : f32 to vector<512x1xf32>
      %div3A_74 = arith.divf %broadcast_in_dim3A_71, %div3A_73 : vector<512x1xf32>
      %sub3A_75 = vector.broadcast %div3A_63 : vector<512x1xf32> to vector<512x256xf32>
      %sub3A_76 = arith.subf %add3A_60, %sub3A_75 : vector<512x256xf32>
      %add3A_77 = arith.constant 9.99999974E-6 : f32
      %add3A_78 = vector.broadcast %add3A_77 : f32 to vector<512x1xf32>
      %add3A_79 = arith.addf %div3A_74, %add3A_78 : vector<512x1xf32>
      %rsqrt3A = math.rsqrt %add3A_79 : vector<512x1xf32>
      %mul3A_80 = vector.broadcast %rsqrt3A : vector<512x1xf32> to vector<512x256xf32>
      %mul3A_81 = arith.mulf %sub3A_76, %mul3A_80 : vector<512x256xf32>
      %get3A_82 = arith.constant 0 : index
      %get3A_83 = arith.constant 0 : index
      %get3A_84 = vector.load %arg7[%get3A_82, %get3A_83] : memref<1x256xf32, #tpu.memory_space<vmem>>, vector<1x256xf32>
      %mul3A_85 = vector.broadcast %get3A_84 : vector<1x256xf32> to vector<512x256xf32>
      %mul3A_86 = arith.mulf %mul3A_81, %mul3A_85 : vector<512x256xf32>
      %get3A_87 = arith.constant 0 : index
      %get3A_88 = arith.constant 0 : index
      %get3A_89 = vector.load %arg8[%get3A_87, %get3A_88] : memref<1x256xf32, #tpu.memory_space<vmem>>, vector<1x256xf32>
      %add3A_90 = vector.broadcast %get3A_89 : vector<1x256xf32> to vector<512x256xf32>
      %add3A_91 = arith.addf %mul3A_86, %add3A_90 : vector<512x256xf32>
      %max3A = arith.constant 0.000000e+00 : f32
      %max3A_92 = vector.broadcast %max3A : f32 to vector<512x256xf32>
      %max3A_93 = arith.maximumf %add3A_91, %max3A_92 : vector<512x256xf32>
      %get3A_94 = arith.constant 0 : index
      %get3A_95 = arith.constant 0 : index
      %get3A_96 = vector.load %arg9[%get3A_94, %get3A_95] : memref<256x10xf32, #tpu.memory_space<vmem>>, vector<256x10xf32>
      %dot_general3A_97 = arith.constant dense<0.000000e+00> : vector<512x10xf32>
      %dot_general3A_98 = tpu.matmul %max3A_93, %get3A_96, %dot_general3A_97 {dimension_numbers = #tpu.dot_dimension_numbers<[1], [0], [0], [1], [0, 0, 1, 1], [], []>, transpose_lhs_hint = false} : vector<512x256xf32>, vector<256x10xf32>, vector<512x10xf32> -> vector<512x10xf32>
      %get3A_99 = arith.constant 0 : index
      %get3A_100 = arith.constant 0 : index
      %get3A_101 = vector.load %arg10[%get3A_99, %get3A_100] : memref<1x10xf32, #tpu.memory_space<vmem>>, vector<1x10xf32>
      %add3A_102 = vector.broadcast %get3A_101 : vector<1x10xf32> to vector<512x10xf32>
      %add3A_103 = arith.addf %dot_general3A_98, %add3A_102 : vector<512x10xf32>
      %swap3A = arith.constant 0 : index
      %swap3A_104 = arith.constant 0 : index
      %swap3A_105 = vector.load %arg11[%swap3A, %swap3A_104] : memref<512x10xf32, #tpu.memory_space<vmem>>, vector<512x10xf32>
      tpu.vector_store %arg11[%swap3A, %swap3A_104], %add3A_103 {strides = array<i32>} : memref<512x10xf32, #tpu.memory_space<vmem>>, vector<512x10xf32>,
    } else {
    }
    return
  }
  func.func @transform_0(%arg0: i32, %arg1: memref<513xi32, #tpu.memory_space<smem>>) -> (i32, i32) {
    %c0_i32 = arith.constant 0 : i32
    %c0_i32_0 = arith.constant 0 : i32
    return %arg0, %c0_i32 : i32, i32
  }
  func.func @transform_1(%arg0: i32, %arg1: memref<513xi32, #tpu.memory_space<smem>>) -> (i32, i32) {
    %c0_i32 = arith.constant 0 : i32
    %c0_i32_0 = arith.constant 0 : i32
    %c0_i32_1 = arith.constant 0 : i32
    return %c0_i32, %c0_i32_0 : i32, i32
  }
  func.func @transform_2(%arg0: i32, %arg1: memref<513xi32, #tpu.memory_space<smem>>) -> (i32, i32) {
    %c0_i32 = arith.constant 0 : i32
    %c0_i32_0 = arith.constant 0 : i32
    %c0_i32_1 = arith.constant 0 : i32
    return %c0_i32, %c0_i32_0 : i32, i32
  }
  func.func @transform_3(%arg0: i32, %arg1: memref<513xi32, #tpu.memory_space<smem>>) -> (i32, i32) {
    %c0_i32 = arith.constant 0 : i32
    %c0_i32_0 = arith.constant 0 : i32
    %c0_i32_1 = arith.constant 0 : i32
    return %c0_i32, %c0_i32_0 : i32, i32
  }
  func.func @transform_4(%arg0: i32, %arg1: memref<513xi32, #tpu.memory_space<smem>>) -> (i32, i32) {
    %c0_i32 = arith.constant 0 : i32
    %c0_i32_0 = arith.constant 0 : i32
    %c0_i32_1 = arith.constant 0 : i32
    return %c0_i32, %c0_i32_0 : i32, i32
  }
  func.func @transform_5(%arg0: i32, %arg1: memref<513xi32, #tpu.memory_space<smem>>) -> (i32, i32) {
    %c0_i32 = arith.constant 0 : i32
    %c0_i32_0 = arith.constant 0 : i32
    %c0_i32_1 = arith.constant 0 : i32
    return %c0_i32, %c0_i32_0 : i32, i32
  }
  func.func @transform_6(%arg0: i32, %arg1: memref<513xi32, #tpu.memory_space<smem>>) -> (i32, i32) {
    %c0_i32 = arith.constant 0 : i32
    %c0_i32_0 = arith.constant 0 : i32
    %c0_i32_1 = arith.constant 0 : i32
    return %c0_i32, %c0_i32_0 : i32, i32
  }
  func.func @transform_7(%arg0: i32, %arg1: memref<513xi32, #tpu.memory_space<smem>>) -> (i32, i32) {
    %c0_i32 = arith.constant 0 : i32
    %c0_i32_0 = arith.constant 0 : i32
    %c0_i32_1 = arith.constant 0 : i32
    return %c0_i32, %c0_i32_0 : i32, i32
  }
  func.func @transform_8(%arg0: i32, %arg1: memref<513xi32, #tpu.memory_space<smem>>) -> (i32, i32) {
    %c0_i32 = arith.constant 0 : i32
    %c0_i32_0 = arith.constant 0 : i32
    %c0_i32_1 = arith.constant 0 : i32
    return %c0_i32, %c0_i32_0 : i32, i32
  }
  func.func @transform_9(%arg0: i32, %arg1: memref<513xi32, #tpu.memory_space<smem>>) -> (i32, i32) {
    %c0_i32 = arith.constant 0 : i32
    %c0_i32_0 = arith.constant 0 : i32
    %c0_i32_1 = arith.constant 0 : i32
    return %c0_i32, %c0_i32_0 : i32, i32
  }
}

</mosaic_0001>

<sc_bundles>
// kernel: scatter_offload_async_start
scs
__scs_entry_jumppad:
0x0: {  	(pc) =	sbr.rel $0x88, $3  }
0x1: {  	(tag) =	ssettag $0x0;
	lr =	simm.s32 $0x1  }
0x2: {  	[smem:$0x3F97] =	sst lr;
	_ =	strace $0xD0000000  }
0x3: {  	_ = 	snop  }
0x4: {  	_ = 	snop  }
0x5: {  	_ = 	snop  }
0x6: {  	_ = 	snop  }
0x7: {  	_ = 	snop  }
__scs_overlays_trampoline_lowered:
0x8: {  	[smem:$0x3FA6] =	sst s0  }
0x9: {  	[smem:$0x3FA7] =	sst s1  }
0xa: {  	[smem:$0x3FA8] =	sst s2  }
0xb: {  	[smem:$0x3FA9] =	sst s3  }
0xc: {  	[smem:$0x3FAA] =	sst s4  }
0xd: {  	[smem:$0x3FAB] =	sst s5  }
0xe: {  	[smem:$0x3FAC] =	sst s6  }
0xf: {  	[smem:$0x3FAD] =	sst s7  }
0x10: {  	[smem:$0x3FAE] =	sst s8  }
0x11: {  	[smem:$0x3FAF] =	sst s9;
	s0 =	simm.s32 @!p0 $0x0  }
0x12: {  	s1 =	sld [smem:$0x3F95];
	s0 =	simm.s32 @p0 $0x1  }
0x13: {  	[smem:$0x3FB0] =	sst s0;
	s0 =	simm.s32 @!p1 $0x0  }
0x14: {  	s2 =	sld [smem:$0x3F94];
	s0 =	simm.s32 @p1 $0x1  }
0x15: {  	[smem:$0x3FB1] =	sst s0;
	s0 =	simm.s32 @!p2 $0x0  }
0x16: {  	s3 =	sld [smem:$0x3FDB];
	s0 =	simm.s32 @p2 $0x1  }
0x17: {  	s4 =	simm.s32 $0x1BF5;
	[smem:$0x3FB3] =	sst s0  }
0x18: {  	s0 =	sld [smem:$0x3F96];
	_ =	swait.ge [sflag:s4], $0x0  }
0x19: {  	s7 =	sld [smem:$0x3F97]  }
0x1a: {  	s8 =	sadd.s32 $0xFFFFE003, lr  }
0x1b: {  	s9 =	sadd.s32 $0xFFFFFEF7, lr;
	s5 =	simm.s32 $0xFFFFFFFF;
	p2 =	slt.u32 s8, $0xFFFFF086  }
0x1c: {  	p1 =	slt.u32 s9, $0xF7A;
	s5 =	simm.s32 @!p2 $0x0  }
0x1d: {  	s5 =	simm.s32 @p1 $0x1;
	p0 =	seq.s32 s7, s2  }
0x1e: {  	s7 =	smul.u32 @!p0 $0xF7A, s2;
	p2 =	seq.s32 @!p0 s5, $0x0  }
0x1f: {  	s9 =	smul.u32 $0xF7A, s1;
	s8 =	simm.s32 @!p0 $0x1BF5;
	p2 =	por !p2, p0  }
0x20: {  	[sflag:s8] =	ssyncset.s32 @!p0 $0xFFFFF086;
	s6 =	sadd.s32 @!p0 s3, s7;
	s7 =	simm.s32 @!p0 $0x108  }
0x21: {  	s3 =	sadd.s32 s3, s9;
	s6 =	sadd.s32 @!p0 $0x88, s6;
	s7 =	simm.s32 @p2 $0x1082  }
0x22: {  	[simem:s7], [sflag:s8] =	dma.local @!p0 [hbm:s6], $0xF7A  }
0x23: {  	s9 =	sor.u32 $0xD0000000, s2;
	s6 =	simm.s32 $0x108;
	_ =	swait.ge @!p0 [sflag:s8], $0x0  }
0x24: {  	s3 =	sadd.s32 $0x88, s3;
	s6 =	simm.s32 @!p1 $0x1082;
	[sflag:s4] =	ssyncset.s32 $0xFFFFF086  }
0x25: {  	[simem:s6], [sflag:s4] =	dma.local [hbm:s3], $0xF7A  }
0x26: {  	[smem:$0x3F97] =	sst s1;
	(tag) =	ssettag s2;
	_ =	strace s9  }
0x27: {  	s1 =	sld [smem:$0x3FA7]  }
0x28: {  	s2 =	sld [smem:$0x3FA8]  }
0x29: {  	s4 =	sld [smem:$0x3FAA]  }
0x2a: {  	p0 =	seq.s32 s5, $0x0;
	s5 =	sld [smem:$0x3FAB]  }
0x2b: {  	s6 =	sld [smem:$0x3FAC]  }
0x2c: {  	s7 =	sld [smem:$0x3FAD]  }
0x2d: {  	s3 =	simm.s32 $0x108;
	s8 =	sld [smem:$0x3FAE]  }
0x2e: {  	s3 =	simm.s32 @!p0 $0x1082;
	s9 =	sld [smem:$0x3FAF]  }
0x2f: {  	lr =	sadd.s32 s0, s3;
	s0 =	sld [smem:$0x3FA6]  }
0x30: {  	s3 =	sld [smem:$0x3FA9]  }
0x31: {  	[smem:$0x3FB2] =	sst s10  }
0x32: {  	s10 =	sld [smem:$0x3FB0];
	_ =	sdelay $0x3  }
0x33: {  	p0 =	seq.s32 s10, $0x1;
	s10 =	sld [smem:$0x3FB2];
	_ =	sdelay $0x3  }
0x34: {  	[smem:$0x3FB2] =	sst s10  }
0x35: {  	s10 =	sld [smem:$0x3FB1];
	_ =	sdelay $0x3  }
0x36: {  	p1 =	seq.s32 s10, $0x1;
	s10 =	sld [smem:$0x3FB2];
	_ =	sdelay $0x3  }
0x37: {  	[smem:$0x3FB2] =	sst s10  }
0x38: {  	s10 =	sld [smem:$0x3FB3]  }
0x39: {  	_ = 	snop;
	(pc) =	sbr.ind lr, $3  }
0x3a: {  	_ = 	snop  }
0x3b: {  	_ = 	snop  }
0x3c: {  	p2 =	seq.s32 s10, $0x1;
	s10 =	sld [smem:$0x3FB2]  }
0x3d: {  	_ =	shalt  }
0x3e: {  	_ =	shalt  }
0x3f: {  	_ =	shalt  }
0x40: {  	_ =	shalt  }
0x41: {  	_ =	shalt  }
0x42: {  	_ =	shalt  }
0x43: {  	_ =	shalt  }
0x44: {  	_ =	shalt  }
0x45: {  	_ =	shalt  }
0x46: {  	_ =	shalt  }
0x47: {  	_ =	shalt  }
0x48: {  	_ =	shalt  }
0x49: {  	_ =	shalt  }
0x4a: {  	_ =	shalt  }
0x4b: {  	_ =	shalt  }
0x4c: {  	_ =	shalt  }
0x4d: {  	_ =	shalt  }
0x4e: {  	_ =	shalt  }
0x4f: {  	_ =	shalt  }
0x50: {  	_ =	shalt  }
0x51: {  	_ =	shalt  }
0x52: {  	_ =	shalt  }
0x53: {  	_ =	shalt  }
0x54: {  	_ =	shalt  }
0x55: {  	_ =	shalt  }
0x56: {  	_ =	shalt  }
0x57: {  	_ =	shalt  }
0x58: {  	_ =	shalt  }
0x59: {  	_ =	shalt  }
0x5a: {  	_ =	shalt  }
0x5b: {  	_ =	shalt  }
0x5c: {  	_ =	shalt  }
0x5d: {  	_ =	shalt  }
0x5e: {  	_ =	shalt  }
0x5f: {  	_ =	shalt  }
0x60: {  	_ =	shalt  }
0x61: {  	_ =	shalt  }
0x62: {  	_ =	shalt  }
0x63: {  	_ =	shalt  }
0x64: {  	_ =	shalt  }
0x65: {  	_ =	shalt  }
0x66: {  	_ =	shalt  }
0x67: {  	_ =	shalt  }
0x68: {  	_ =	shalt  }
0x69: {  	_ =	shalt  }
0x6a: {  	_ =	shalt  }
0x6b: {  	_ =	shalt  }
0x6c: {  	_ =	shalt  }
0x6d: {  	_ =	shalt  }
0x6e: {  	_ =	shalt  }
0x6f: {  	_ =	shalt  }
0x70: {  	_ =	shalt  }
0x71: {  	_ =	shalt  }
0x72: {  	_ =	shalt  }
0x73: {  	_ =	shalt  }
0x74: {  	_ =	shalt  }
0x75: {  	_ =	shalt  }
0x76: {  	_ =	shalt  }
0x77: {  	_ =	shalt  }
0x78: {  	_ =	shalt  }
0x79: {  	_ =	shalt  }
0x7a: {  	_ =	shalt  }
0x7b: {  	_ =	shalt  }
0x7c: {  	_ =	shalt  }
0x7d: {  	_ =	shalt  }
0x7e: {  	_ =	shalt  }
0x7f: {  	_ =	shalt  }
0x80: {  	_ =	shalt  }
0x81: {  	_ =	shalt  }
0x82: {  	_ =	shalt  }
0x83: {  	_ =	shalt  }
0x84: {  	_ =	shalt  }
0x85: {  	_ =	shalt  }
0x86: {  	_ =	shalt  }
0x87: {  	_ =	shalt  }
.Lfunc_end0:
.L_simem_size_0:
called_computation_lowered:
.L_overlay_start_0:
0x88: {  	s0 =	sld [smem:$0x3FD9]  }
0x89: {  	s1 =	sld [smem:$0x3FFE];
	_ =	sdelay $0x3  }
0x8a: {  	s0 =	sadd.s32 s1, s0  }
0x8b: {  	[smem:$0x3FBE] =	sst s0  }
0x8c: {  	_ = 	snop  }
0x8d: {  	s0 =	sld [smem:$0x3FC8]  }
0x8e: {  	s16 =	sld [smem:$0x3FD0];
	(tm) =	ssettm $0x1  }
0x8f: {  	s2 =	sld [smem:$0x3FFB];
	_ =	sdelay $0x3  }
0x90: {  	_ =	strace s2  }
0x91: {  	s2 =	sld [smem:$0x3FFC];
	_ =	sdelay $0x3  }
0x92: {  	_ =	strace s2  }
0x93: {  	s2 =	sld [smem:$0x3FFD];
	_ =	sdelay $0x3  }
0x94: {  	_ =	strace s2  }
0x95: {  	_ =	strace $0x8FFFFFFF  }
0x96: {  	s17 =	sld [smem:$0x3FDB];
	_ =	sdelay $0x1  }
0x97: {  	s3 =	simm.s32 $_scs_section_size  }
0x98: {  	s4 =	simm.s32 $_size__tile_overlayer_lowered;
	s5 =	simm.s32 $_tile_overlayer_lowered  }
0x99: {  	s20 =	simm.s32 $0x1BFF;
	s19 =	sshll.u32 s5, $0x1;
	s2 =	sadd.s32 s3, s17  }
0x9a: {  	s6 =	simm.s32 $0x0;
	s18 =	sshll.u32 s4, $0x1;
	s4 =	sadd.s32 s19, s2  }
0x9b: {  	[timem:s6], [sflag:s20] =	dma.local [hbm:s4], s18  }
0x9c: {  	_ =	swait.ge [sflag:s20], s18  }
0x9d: {  	s3 =	ssub.s32 $0x0, s18;
	[sflag:s20] =	ssyncset.done $0x0  }
0x9e: {  	[sflag:s20] =	ssyncadd.s32 s3;
	_ =	sdelay $0x1  }
0x9f: {  	s21 =	simm.s32 $0x1B8B  }
0xa0: {  	_ =	swait.ge [sflag:s21], $0x1  }
0xa1: {  	[sflag:s21] =	ssyncset.done $0x0  }
0xa2: {  	s23 =	simm.s32 $0x1B8E;
	s22 =	sld [smem:$0x3FFE];
	[sflag:s21] =	ssyncadd.s32 $0xFFFFFFFF  }
0xa3: {  	s24 =	simm.s32 $execute0_lowered;
	[smem:$0x3FD2] =	sst s23  }
0xa4: {  	s4 =	sshll.u32 s24, $0x1;
	_ =	strace $0x80000046;
	[dreg:$0x1] =	wrdreg $0xFFFFFFFF  }
0xa5: {  	s25 =	simm.s32 $_size_execute0_lowered;
	s2 =	sadd.s32 s2, s4;
	[dreg:$0x0] =	wrdreg $0x0  }
0xa6: {  	s4 =	sshll.u32 s25, $0x1;
	[dreg:$0x2] =	wrdreg s2  }
0xa7: {  	[dreg:$0x3] =	wrdreg s4  }
0xa8: {  	[dreg:$0x4] =	wrdreg $0xC0  }
0xa9: {  	_ =	task [dreg:s6], $0x5FFFF  }
0xaa: {  	[dreg:$0x1] =	wrdreg $0xFFFFFFFF  }
0xab: {  	[dreg:$0x0] =	wrdreg $0x60  }
0xac: {  	[dreg:$0x2] =	wrdreg s16  }
0xad: {  	[dreg:$0x3] =	wrdreg s0  }
0xae: {  	[dreg:$0x4] =	wrdreg s22  }
0xaf: {  	[dreg:$0x5] =	wrdreg $0x9  }
0xb0: {  	_ =	task.clear_ibuf [dreg:s6], $0x6FFFF;
	_ =	strace $0x90000046  }
0xb1: {  	s26 =	simm.s32 $0x9;
	_ =	strace $0x80000048  }
0xb2: {  	_ =	swait.ge [sflag:s26], $0x1  }
0xb3: {  	[sflag:s26] =	ssyncadd.s32 $0xFFFFFFFF  }
0xb4: {  	_ =	strace $0x90000048  }
0xb5: {  	_ =	sfence  }
0xb6: {  	s28 =	sld [smem:$0x0];
	_ =	sdelay $0x1  }
0xb7: {  	s29 =	srdreg.scid  }
0xb8: {  	s30 =	sshll.u32 s29, $0xD;
	s31 =	sshrl.u32 s29, $0x2  }
0xb9: {  	s1 =	sand.u32 $0x1, s29;
	s2 =	sand.u32 $0x4000, s30;
	s0 =	sadd.s32 s31, s28  }
0xba: {  	s1 =	sor.u32 s2, s1;
	s0 =	sshll.u32 s0, $0x11  }
0xbb: {  	s0 =	sor.u32 s0, s1  }
0xbc: {  	s0 =	sadd.s32 $0x8F2B, s0  }
0xbd: {  	[sflag:s0] =	ssyncadd.remote.s32 $0x1  }
0xbe: {  	_ =	sfence.sel $0xFFFF  }
0xbf: {  	[dreg:$0x0] =	wrdreg $0xFFFFFFFF;
	(pc) =	sbr.abs _section_cstart, $3  }
0xc0: {  	[dreg:$0x1] =	wrdreg $0xFFFFFFFF  }
0xc1: {  	_ =	task.clear_ibuf [dreg:s6], $0x2FFFF;
	_ =	strace $0x9FFFFFFF  }
0xc2: {  	(tm) =	ssettm $0x7FFFFFFF  }
0xc3: {  	_ =	shalt  }
tec
execute0_lowered:
.L_overlay_start_1:
0x0: {  	(tag) =	ssettag $0x1  }
0x1: {  	s1 =	rddreg [dreg:$0x0];
	_ =	strace $0x80000047;
	s3 =	stileid.u32  }
0x2: {  	s0 =	simm.s32 $0x1;
	s2 =	smin.u32 s3, $0x8;
	s5 =	sshll.u32 s3, $0x1  }
0x3: {  	[sflag:s0] =	ssyncpa.u1 $0x0;
	s2 =	sadd.s32 s2, s5  }
0x4: {  	v1 =	vimm.s32 $0xFFFFFFFF;
	p0 =	slt.u32 s3, $0x8;
	s6 =	smul.u32 $0x1F40, s2;
	s2 =	simm.s32 $0x5DC0  }
0x5: {  	[tilespmem:$0x10] =	vst v1;
	s2 =	simm.s32 @!p0 $0x3E80  }
0x6: {  	v0 =	vimm.s32 $0x7FFFFFFF;
	[tilespmem:$0x20] =	vst v1;
	s2 =	sadd.s32 s2, s6  }
0x7: {  	[tilespmem:$0x30] =	vst v0;
	s7 =	smin.u32 s2, $0x4E200  }
0x8: {  	[tilespmem:$0x40] =	vst v0;
	s2 =	ssub.s32 s7, s6  }
0x9: {  	s8 =	simm.s32 $0x2;
	[tilespmem:$0x50] =	vst v0;
	p0 =	sgt.s32 s2, $0x0  }
0xa: {  	s9 =	simm.s32 $0x8;
	s31 =	simm.s32 $0x9;
	[tilespmem:$0x60] =	vst v1;
	s2 =	simm.s32 @!p0 $0x0  }
0xb: {  	s16 =	simm.s32 $0x0;
	s17 =	simm.s32 $0xF0;
	[tilespmem:$0x70] =	vst v1;
	s4 =	smulhi.u32 $0x10624DD3, s2  }
0xc: {  	s18 =	simm.s32 $0xFFFFFFFF;
	s19 =	simm.s32 $0xFFFFC280;
	s20 =	simm.s32 $0xFFFFFFFE;
	[tilespmem:$0x80] =	vst v1  }
0xd: {  	s21 =	simm.s32 $0xF;
	s25 =	simm.s32 $0x0;
	v1 =	vimm.s32 $0x0;
	[tilespmem:$0xB0] =	vst v0;
	s4 =	sshrl.u32 s4, $0x9  }
0xe: {  	s24 =	simm.s32 $0x0;
	s15 =	sshllo.u32 s3, $0x1;
	[tilespmem:$0x90] =	vst v1;
	s10 =	smul.u32 $0x1F40, s4  }
.Ltmp0:
0xf: {  	[tilespmem:$0xA0] =	vst v1;
	[sflag:s8] =	ssyncpa.u1 $0x0;
	s8 =	simm.s32 $0x7;
	(pc) =	sbr.rel .LBB2_1-.Ltmp0, $4  }
0x10: {  	s13 =	sor.u32 $0x80, s5;
	[sflag:s8] =	ssyncpa.u1 $0x0;
	p0 =	sne.s32 s2, s10  }
0x11: {  	s14 =	sor.u32 $0x81, s5;
	[sflag:s9] =	ssyncpa.u1 $0x0;
	s0 =	simm.s32 @!p0 $0x0  }
0x12: {  	vm0 =	vmmov $0xffff;
	v2 =	vlaneseq.u32;
	s23 =	smov.u32 s6;
	[sflag:s31] =	ssyncpa.u1 $0x0;
	s10 =	sadd.s32 s0, s4  }
0x13: {  	vm1 =	vmxor vm1, vm1;
	vm2 =	vmmov $0x1;
	vm3 =	vcmask $0x3F3C;
	p0 =	por $0x0, $0x0;
	s11 =	sadd.s32 $0x1, s10;
	s12 =	sadd.s32 $0x2, s10  }
.LBB2_9:
0x14: {  	p1 =	slt.u32 s24, $0x3  }
0x15: {  	s0 =	simm.s32 @!p1 $0x2  }
0x16: {  	_ =	swait.ge @!p1 [sflag:s0], $0x1F40  }
0x17: {  	[sflag:s0] =	ssyncset.done @!p1 $0x0  }
0x18: {  	[sflag:s0] =	ssyncadd.s32 @!p1 $0xFFFFE0C0;
	s0 =	simm.s32 @!p1 $0x9  }
0x19: {  	_ =	swait.ge @!p1 [sflag:s0], $0x10  }
0x1a: {  	[sflag:s0] =	ssyncset.done @!p1 $0x0  }
0x1b: {  	[sflag:s0] =	ssyncadd.s32 @!p1 $0xFFFFFFF0;
	p1 =	sne.s32 s24, s12  }
.Ltmp1:
0x1c: {  	s2 =	sadd.s32 $0x1F40, s23;
	(pc) =	sbr.rel @!p1 .LBB2_10-.Ltmp1, $4  }
0x1d: {  	s3 =	smov.u32 s6;
	s31 =	sadd.s32 $0x1, s24;
	s17 =	sadd.s32 $0x1F40, s17  }
0x1e: {  	s18 =	sadd.s32 $0x1, s18;
	s25 =	smov.u32 s23;
	p2 =	slt.s32 s2, s7  }
0x1f: {  	p0 =	por !p0, !p0;
	s19 =	sadd.s32 $0x1F40, s19;
	s3 =	smov.u32 @p2 s2  }
0x20: {  	s20 =	sadd.s32 $0x1, s20;
	s23 =	smov.u32 s3;
	s24 =	smov.u32 s31  }
.LBB2_1:
0x21: {  	p1 =	sge.u32 s24, s10  }
0x22: {  	s0 =	smulhi.u32 @!p1 $0xAAAAAAAB, s24;
	_ =	sdelay $0x1  }
0x23: {  	s0 =	sshrl.u32 @!p1 s0, $0x1  }
0x24: {  	s0 =	smul.u32 @!p1 $0x3, s0;
	_ =	sdelay $0x1  }
0x25: {  	s0 =	ssub.s32 @!p1 s24, s0  }
0x26: {  	s0 =	smul.u32 @!p1 $0x7D00, s0;
	_ =	sdelay $0x1  }
0x27: {  	s3 =	rddreg [dreg:$0x1];
	s2 =	sshrl.u32 @!p1 s23, $0x3;
	s0 =	sshrl.u32 @!p1 s0, $0x2  }
0x28: {  	s4 =	sand.u32 @!p1 $0x7, s23;
	s2 =	sadd.s32 @!p1 s3, s2;
	s0 =	sadd.s32 @!p1 $0x100, s0  }
0x29: {  	[tilespmem:s0], [sflag:$0x7] =	stream.linear.gather @!p1 [hbm4b:s2+s4], $0x1F40, $0x38;
	[tilespmem:$0x11A60] =	vst v63  }
0x2a: {  	s0 =	sadd.s32 $0xFFFFFFFF, s24  }
0x2b: {  	p1 =	sge.u32 s0, s10  }
.Ltmp2:
0x2c: {  	_ = 	snop;
	(pc) =	sbr.rel @p1 .LBB2_5-.Ltmp2, $1  }
0x2d: {  	_ =	sdelay $0x3  }
0x2e: {  	s2 =	smulhi.u32 $0xAAAAAAAB, s0;
	_ =	sdelay $0x1  }
0x2f: {  	s2 =	sshrl.u32 s2, $0x1  }
0x30: {  	s2 =	smul.u32 $0x3, s2;
	_ =	sdelay $0x1  }
0x31: {  	s2 =	ssub.s32 s0, s2  }
0x32: {  	s2 =	smul.u32 $0x7D00, s2  }
0x33: {  	_ =	swait.ge [sflag:s8], $0x1F40  }
0x34: {  	[sflag:s8] =	ssyncset.done $0x0;
	s2 =	sshrl.u32 s2, $0x2  }
0x35: {  	[sflag:s8] =	ssyncadd.s32 $0xFFFFE0C0;
	(ifvalue) =	ssetifvalue $0xFFFFFFFF;
	v3 =	vld.msk [tilespmem:s2+$0x100 ss:$0x1], $0xffff;
	_ =	sdelay $0x2  }
0x36: {  	s30 =	smulhi.u32 $0xAAAAAAAB, s18;
	p1 =	sne.s32 s24, $0x1  }
0x37: {  	v4 =	vimm.s32 @!p1 $0x0  }
0x38: {  	s2 =	sshrl.u32 s30, $0x1;
	v4 =	vperm.xlane @!p1 v3, v4  }
0x39: {  	s4 =	sshll.u32 s24, $0x4;
	s2 =	smul.u32 $0xFFFE8900, s2;
	vm4 =	vlt.u32 v3, $0x200  }
0x3a: {  	s4 =	sand.u32 $0x10, s4;
	v3 =	vnsel vm4, $0xFFFFFFFE, v3;
	vm4 =	vlt.u32 @!p1 v4, $0x200  }
0x3b: {  	s2 =	sshra.s32 s2, $0x2;
	[tilespmem:s4+$0x60] =	vst v3;
	v3 =	vnsel @!p1 vm4, $0xFFFFFFFE, v4  }
0x3c: {  	s26 =	sadd.s32 s2, s17;
	[tilespmem:$0x80] =	vst @!p1 v3  }
0x3d: {  	v3 =	vld.msk [tilespmem:s26+$0x0 ss:$0x1], $0xffff;
	_ =	sdelay $0x4  }
0x3e: {  	(xrf1) =	vunique.msk.u32 $0xffff, v3;
	_ =	sdelay $0xd  }
0x3f: {  	v4 =	vimm.s32 $0xFFFFFFFF;
	v5, _, _ =	vpop (xrf1)  }
0x40: {  	vm5 =	vne.s32 v3, v4;
	vm4 =	veq.s32 v5, v2  }
0x41: {  	vm6 =	vlt.u32 v3, $0x200;
	vm4 =	vmand vm5, vm4  }
0x42: {  	vm4 =	vmand vm6, vm4  }
0x43: {  	v4 =	vnsel vm4, $0xFFFFFFFF, v3  }
0x44: {  	s31 =	sand.u32 $0x1, s0  }
0x45: {  	s0 =	simm.s32 $0x1F40;
	p1 =	seq.s32 s31, $0x1  }
0x46: {  	s0 =	simm.s32 @!p1 $0x0  }
0x47: {  	s2 =	sadd.s32 $0x7DF0, s0;
	(ifvalue) =	ssetifvalue $0xFFFFFFFF  }
0x48: {  	v3 =	vperm.xlane v3, v1;
	[tilespmem:s2], [sflag:$0x8] =	stream.indirect_vreg.gather [hbm4b:s1+s16], $0x1, v4, vm0, $0x4038;
	v4 =	vnsel vm6, $0xFFFFFFFE, v4;
	[tilespmem:$0x11A60] =	vst v63  }
0x49: {  	s22 =	sadd.s32 $0xFFFFFFF0, s26;
	s4 =	simm.s32 $0x0;
	[tilespmem:s26+$0x0] =	vst v4  }
.LBB2_3:
0x4a: {  	v4 =	vld.msk [tilespmem:s22+$0x0 ss:$0x1], $0xffff;
	s4 =	sadd.s32 $0x10, s4;
	v5 =	vmov v3;
	s26 =	smov.u32 s22  }
0x4b: {  	p1 =	slt.u32 s4, $0x1F30;
	_ =	sdelay $0x4  }
0x4c: {  	v3 =	vperm.xlane v4, v1;
	(xrf1) =	vunique.msk.u32 $0xffff, v4;
	_ =	sdelay $0xd  }
0x4d: {  	v6, _, _ =	vpop (xrf1)  }
0x4e: {  	vm5 =	vne.s32 v4, v5;
	vm4 =	veq.s32 v6, v2  }
0x4f: {  	vm6 =	vlt.u32 v4, $0x200;
	vm4 =	vmand vm5, vm4  }
0x50: {  	vm4 =	vmand vm6, vm4  }
0x51: {  	v4 =	vnsel vm4, $0xFFFFFFFF, v4  }
.Ltmp3:
0x52: {  	v5 =	vnsel vm6, $0xFFFFFFFE, v4;
	(pc) =	sbr.rel @p1 .LBB2_3-.Ltmp3, $3  }
0x53: {  	_ =	sdelay $0x1  }
0x54: {  	s22 =	sadd.s32 $0xFFFFFFF0, s22;
	s2 =	sadd.s32 $0xFFFFFFF0, s2;
	(ifvalue) =	ssetifvalue $0xFFFFFFFF  }
0x55: {  	[tilespmem:s2], [sflag:$0x8] =	stream.indirect_vreg.gather [hbm4b:s1+s16], $0x1, v4, vm0, $0x4038;
	[tilespmem:s26+$0x0] =	vst v5  }
0x56: {  	s2 =	sshrl.u32 s25, $0x3;
	s3 =	rddreg [dreg:$0x2]  }
0x57: {  	s0 =	sadd.s32 $0x9D40, s0;
	s2 =	sadd.s32 s3, s2  }
0x58: {  	[tilespmem:s0], [sflag:$0x8] =	stream.linear.gather [hbm:s2], $0x1F40, $0x38;
	[tilespmem:$0x11A60] =	vst v63  }
.LBB2_5:
0x59: {  	p1 =	slt.u32 s24, $0x2  }
0x5a: {  	p2 =	sge.u32 @!p1 s24, s12  }
0x5b: {  	p1 =	por p1, p2  }
.Ltmp4:
0x5c: {  	_ = 	snop;
	(pc) =	sbr.rel @p1 .LBB2_9-.Ltmp4, $1  }
0x5d: {  	_ =	sdelay $0x3  }
0x5e: {  	s0 =	sadd.s32 $0xFFFFFFFE, s24  }
0x5f: {  	s2 =	smulhi.u32 $0xAAAAAAAB, s0;
	_ =	sdelay $0x1  }
0x60: {  	s2 =	sshrl.u32 s2, $0x1  }
0x61: {  	s2 =	smul.u32 $0x3, s2;
	_ =	sdelay $0x1  }
0x62: {  	s0 =	ssub.s32 s0, s2  }
0x63: {  	_ =	swait.ge [sflag:s9], $0x3E80;
	s0 =	smul.u32 $0x1F40, s0  }
0x64: {  	p1 =	sne.s32 s24, s11;
	[sflag:s9] =	ssyncset.done $0x0  }
0x65: {  	[sflag:s9] =	ssyncadd.s32 $0xFFFFC180;
	s2 =	sadd.s32 @!p1 $0x203F, s0  }
0x66: {  	[spmem:s14] =	stream.linear.scatter @!p1 [tilespmem:s2], [sflag:$0x1], $0x1, $0x38;
	[tilespmem:$0x11A60] =	vst v63  }
0x67: {  	s2 =	simm.s32 @!p1 $0x1  }
0x68: {  	_ =	swait.ge @!p1 [sflag:s2], $0x1  }
0x69: {  	s4 =	sshll.u32 s24, $0x4;
	[sflag:s2] =	ssyncset.done @!p1 $0x0  }
0x6a: {  	s25 =	sand.u32 $0x10, s4;
	[sflag:s2] =	ssyncadd.s32 @!p1 $0xFFFFFFFF  }
0x6b: {  	s2 =	sxor.u32 $0x10, s25;
	v4 =	vld [tilespmem:s25+$0x10]  }
0x6c: {  	v5 =	vld [tilespmem:s2+$0x60]  }
0x6d: {  	v3 =	vld [tilespmem:$0x80];
	_ =	sdelay $0x2  }
0x6e: {  	(v2sf) =	vpush v4, $0x0  }
0x6f: {  	(v2sf) =	vpush v5, $0x0  }
0x70: {  	(v2sf) =	vpush v3, $0x0;
	_ =	sdelay $0xc  }
0x71: {  	s26 =	spop (v2sf)  }
0x72: {  	s22 =	spop (v2sf)  }
0x73: {  	s28 =	spop (v2sf)  }
0x74: {  	p3 =	seq.s32 s26, s22;
	p2 =	seq.s32 s28, s26  }
0x75: {  	p2 =	por p3, p2  }
0x76: {  	s3 =	sand.u32 $0x1, s24;
	v4 =	vpsel p2, $0xFFFFFFFF, v4  }
0x77: {  	s29 =	smul.u32 $0x1F40, s3;
	[tilespmem:s25+$0x10] =	vst.msk $0x1, v4  }
0x78: {  	v4 =	vld [tilespmem:$0x30]  }
0x79: {  	v5 =	vld [tilespmem:s29+$0x9D40]  }
0x7a: {  	v6 =	vld [tilespmem:s25+$0x40];
	_ =	sdelay $0x3  }
0x7b: {  	vm4 =	vmmov vm1;
	vm6 =	vmmov vm2;
	vm5 =	vlt.s32 v4, v5  }
0x7c: {  	s4 =	sshll.u32 s3, $0x4;
	vm4 =	vmmov @p3 vm2;
	v5 =	vsel vm5, v4, v5;
	vm5 =	vlt.s32 v4, v6  }
0x7d: {  	s26 =	sor.u32 $0x11A40, s4;
	vm6 =	vmmov @p2 vm1;
	v4 =	vsel vm5, v4, v6;
	[tilespmem:s29+$0x9D40] =	vst.msk vm4, v5  }
0x7e: {  	[tilespmem:s26+$0x0] =	vst.msk vm6, v4  }
0x7f: {  	v4 =	vld [tilespmem:s29+$0x7DF0];
	_ =	sdelay $0x4  }
0x80: {  	v4 =	vshift.insert v4, v1, s21  }
0x81: {  	s22 =	sor.u32 $0x40, s2  }
0x82: {  	v5 =	vimm.s32 $0x7FFFFFFF;
	[tilespmem:s22+$0x0] =	vst.msk $0x1, v4  }
0x83: {  	[tilespmem:s29+$0x7DFF] =	vst.msk $0x1, v5  }
0x84: {  	v4 =	vld [tilespmem:s0+$0x2030];
	_ =	sdelay $0x1  }
0x85: {  	s0 =	simm.s32 $0x1  }
0x86: {  	s3 =	smulhi.u32 $0xAAAAAAAB, s20;
	s0 =	simm.s32 @!p0 $0x0  }
0x87: {  	s0 =	smul.u32 $0x7D00, s0  }
0x88: {  	s4 =	sshrl.u32 s3, $0x1;
	v4 =	vshift.insert v4, v1, s21  }
0x89: {  	s4 =	smul.u32 $0xFFFE8900, s4;
	s0 =	sshrl.u32 s0, $0x2  }
0x8a: {  	s22 =	sadd.s32 $0x9D40, s0;
	[tilespmem:s2+$0x10] =	vst.msk $0x1, v4  }
0x8b: {  	s4 =	sshra.s32 s4, $0x2;
	v6 =	vld [tilespmem:s22+$0x0]  }
0x8c: {  	s2 =	sadd.s32 s4, s19  }
0x8d: {  	v7 =	vld [tilespmem:s2+$0x0];
	_ =	sdelay $0x2  }
0x8e: {  	vm4 =	vlt.s32 v6, v5  }
0x8f: {  	v5 =	vsel vm4, v6, v5  }
0x90: {  	vm4 =	vne.s32 v7, $0xFFFFFFFF;
	v5 =	vxor.u32 $0x80000000, v5  }
0x91: {  	(xrf0) =	vmin.seg.scan.u32 vm4, v5  }
0x92: {  	s3 =	sadd.s32 $0x5EC0, s0  }
0x93: {  	v8 =	vld [tilespmem:s3+$0x0]  }
0x94: {  	v6 =	vld [tilespmem:$0xA0];
	_ =	sdelay $0x2  }
0x95: {  	v5 =	vperm.xlane v4, v1;
	v9, _, _ =	vpop (xrf0)  }
0x96: {  	vm6 =	veq.s32 v7, v3;
	v9 =	vxor.u32 $0x80000000, v9  }
0x97: {  	vm8 =	veq.s32 v7, v5;
	vm5 =	veq.s32 v6, $0x1;
	vm7 =	vlt.s32 v9, v8  }
0x98: {  	vm8 =	vmor vm8, vm6;
	v6 =	vsel vm7, v9, v8;
	vm7 =	vgt.u32 v7, $0xFFFFFFFD  }
0x99: {  	v10 =	vld [tilespmem:$0x90];
	vm9 =	vmand vm4, vm3;
	vm4 =	vmor vm5, vm6;
	vm5 =	vmor vm8, vm7  }
0x9a: {  	v8 =	vsel vm5, $0xFFFFFFFF, v7;
	_ =	sdelay $0x1  }
0x9b: {  	s30 =	sadd.s32 $0xDBC0, s0  }
0x9c: {  	s31 =	simm.s32 $0x0;
	s0 =	sadd.s32 $0x10, s22;
	s4 =	sadd.s32 $0x10, s30;
	v11 =	vsel vm9, $0x7FFFFFFF, v9;
	v6 =	vsel vm6, v9, v6  }
0x9d: {  	s2 =	sadd.s32 $0x10, s2;
	s22 =	sadd.s32 $0x10, s3;
	[tilespmem:s30+$0x0] =	vst v6;
	v6 =	vsel vm6, v9, v10;
	v7 =	vshift.insert v11, v0, s21;
	(ifvalue) =	ssetifvalue $0xFFFFFFFF  }
.LBB2_7:
0x9e: {  	[hbm4b:s1+s16] =	stream.indirect_vreg.scatter [tilespmem:s30], [sflag:$0x2], $0x1, v8, vm0, $0x4038;
	[tilespmem:$0x11A60] =	vst v63  }
0x9f: {  	s31 =	sadd.s32 $0x10, s31;
	s30 =	smov.u32 s4;
	v8 =	vld [tilespmem:s0+$0x0]  }
0xa0: {  	p2 =	slt.u32 s31, $0x1F30  }
0xa1: {  	v9 =	vld [tilespmem:s2+$0x0];
	_ =	sdelay $0x2  }
0xa2: {  	vm5 =	vlt.s32 v8, v7  }
0xa3: {  	v7 =	vsel vm5, v8, v7  }
0xa4: {  	vm5 =	vne.s32 v9, $0xFFFFFFFF;
	v7 =	vxor.u32 $0x80000000, v7  }
0xa5: {  	(xrf0) =	vmin.seg.scan.u32 vm5, v7;
	_ =	sdelay $0x2  }
0xa6: {  	v7 =	vld [tilespmem:s22+$0x0];
	_ =	sdelay $0x1  }
0xa7: {  	vm6 =	veq.s32 v9, v3;
	vm7 =	veq.s32 v9, v5  }
0xa8: {  	vm8 =	vgt.u32 v9, $0xFFFFFFFD;
	vm4 =	vmor vm4, vm6;
	vm7 =	vmor vm7, vm6;
	v8, _, _ =	vpop (xrf0)  }
0xa9: {  	vm5 =	vmand vm5, vm3;
	vm7 =	vmor vm7, vm8;
	v10 =	vxor.u32 $0x80000000, v8  }
.Ltmp5:
0xaa: {  	v8 =	vsel vm7, $0xFFFFFFFF, v9;
	vm7 =	vlt.s32 v10, v7;
	v9 =	vsel vm5, $0x7FFFFFFF, v10;
	(pc) =	sbr.rel @p2 .LBB2_7-.Ltmp5, $4  }
0xab: {  	v6 =	vsel vm6, v10, v6;
	v11 =	vsel vm7, v10, v7;
	v7 =	vshift.insert v9, v0, s21  }
0xac: {  	v9 =	vsel vm6, v10, v11  }
0xad: {  	s0 =	sadd.s32 $0x10, s0;
	s2 =	sadd.s32 $0x10, s2;
	[tilespmem:s4+$0x0] =	vst v9  }
0xae: {  	s22 =	sadd.s32 $0x10, s22;
	s4 =	sadd.s32 $0x10, s4;
	(ifvalue) =	ssetifvalue $0xFFFFFFFF  }
0xaf: {  	_ =	sdelay $0x3  }
0xb0: {  	[hbm4b:s1+s16] =	stream.indirect_vreg.scatter [tilespmem:s30], [sflag:$0x2], $0x1, v8, vm0, $0x4038;
	[tilespmem:$0x11A60] =	vst v63  }
0xb1: {  	v3 =	vld [tilespmem:s29+$0xFAF0];
	_ =	sdelay $0x4  }
0xb2: {  	v3 =	vshift.insert v3, v1, s21  }
0xb3: {  	s0 =	simm.s32 $0x30  }
0xb4: {  	[tilespmem:s0+$0x0] =	vst.msk $0x1, v3  }
0xb5: {  	v3 =	vsel vm4, $0x1, v1;
	[tilespmem:$0x90] =	vst v6  }
0xb6: {  	s0 =	sadd.s32 @!p1 $0xFAFF, s29;
	[tilespmem:$0xA0] =	vst v3  }
0xb7: {  	[spmem:s15] =	stream.linear.scatter @!p1 [tilespmem:s0], [sflag:$0x1], $0x1, $0x38;
	[tilespmem:$0x11A60] =	vst v63  }
0xb8: {  	s0 =	simm.s32 @!p1 $0x1  }
0xb9: {  	v3 =	vmctz.xlane @!p1 vm4;
	_ =	swait.ge @!p1 [sflag:s0], $0x1  }
0xba: {  	(v2sf) =	vpush @!p1 v4, $0x0  }
0xbb: {  	(v2sf) =	vpush @!p1 v3, $0x0;
	_ =	sdelay $0xd  }
0xbc: {  	s2 =	spop @!p1 (v2sf)  }
0xbd: {  	s3 =	spop @!p1 (v2sf)  }
0xbe: {  	p2 =	sne.s32 @!p1 s28, s2;
	p3 =	slt.s32 @!p1 s3, $0xF  }
0xbf: {  	[sflag:s0] =	ssyncset.done @!p1 $0x0;
	p2 =	por p2, p1;
	p3 =	por !p3, p1  }
0xc0: {  	[sflag:s0] =	ssyncadd.s32 @!p1 $0xFFFFFFFF;
	v3 =	vimm.s32 @!p2 $0xFFFFFFFF;
	s3 =	simm.s32 @p3 $0xF  }
0xc1: {  	[tilespmem:$0x80] =	vst @!p2 v3;
	s2 =	sadd.s32 @!p1 $0x90, s3  }
0xc2: {  	[spmem:s5] =	stream.linear.scatter @!p1 [tilespmem:s2], [sflag:$0x1], $0x1, $0x38;
	[tilespmem:$0x11A60] =	vst v63  }
0xc3: {  	_ =	swait.ge @!p1 [sflag:s0], $0x1  }
0xc4: {  	[sflag:s0] =	ssyncset.done @!p1 $0x0  }
0xc5: {  	s2 =	simm.s32 @!p1 $0x80;
	[sflag:s0] =	ssyncadd.s32 @!p1 $0xFFFFFFFF  }
0xc6: {  	[spmem:s13] =	stream.linear.scatter @!p1 [tilespmem:s2], [sflag:$0x1], $0x1, $0x38;
	[tilespmem:$0x11A60] =	vst v63  }
0xc7: {  	_ =	swait.ge @!p1 [sflag:s0], $0x1  }
0xc8: {  	[sflag:s0] =	ssyncset.done @!p1 $0x0  }
0xc9: {  	[sflag:s0] =	ssyncadd.s32 @!p1 $0xFFFFFFFF;
	(ifvalue) =	ssetifvalue $0xFFFFFFFF;
	v3 =	vld [tilespmem:s25+$0x10];
	_ =	sdelay $0x3  }
.Ltmp6:
0xca: {  	_ = 	snop;
	(pc) =	sbr.rel .LBB2_9-.Ltmp6, $3  }
0xcb: {  	_ =	sdelay $0x1  }
0xcc: {  	(ifvalue) =	ssetifvalue $0xFFFFFFFF  }
0xcd: {  	[hbm4b:s1+s16] =	stream.indirect_vreg.scatter [tilespmem:s26], [sflag:$0x9], $0x1, v3, vm0, $0x4038;
	[tilespmem:$0x11A60] =	vst v63  }
.LBB2_10:
0xce: {  	_ =	sfence.sel $0x180000  }
0xcf: {  	s0 =	simm.s32 $0x7;
	[bflag:$0x0] =	sbarrier.arrive $0xFFFF  }
0xd0: {  	s26 =	simm.s32 $0x8;
	[sflag:s0] =	ssyncpa.u1 $0x1  }
0xd1: {  	s28 =	simm.s32 $0x9;
	[sflag:s26] =	ssyncpa.u1 $0x1  }
0xd2: {  	[sflag:s28] =	ssyncpa.u1 $0x1  }
0xd3: {  	_ =	sfence.stream.spmem  }
0xd4: {  	s29 =	simm.s32 $0x3;
	[bflag:$0x0] =	sbarrier.arrive $0xFFFF  }
0xd5: {  	s30 =	simm.s32 $0x4;
	[sflag:s29] =	ssyncpa.u1 $0x1  }
0xd6: {  	s31 =	simm.s32 $0x3C;
	s2 =	stileid.u32;
	[sflag:s30] =	ssyncpa.u1 $0x1  }
0xd7: {  	p0 =	sne.s32 s2, $0x0;
	[sflag:s31] =	ssyncpa.u1 $0x1  }
0xd8: {  	s0 =	simm.s32 @p0 $0x1;
	_ =	sfence @p0  }
0xd9: {  	[sflag:s0] =	ssyncpa.u1 @p0 $0x1;
	s0 =	simm.s32 @p0 $0x2  }
0xda: {  	[sflag:s0] =	ssyncpa.u1 @p0 $0x1  }
0xdb: {  	_ =	strace @p0 $0x90000047  }
0xdc: {  	[bflag:$0x2] =	sbarrier.arrive @p0 $0xFFFF  }
0xdd: {  	_ =	shalt @p0  }
.LBB2_11:
0xde: {  	_ =	sfence.stream.spmem;
	s0 =	simm.s32 $0x5  }
0xdf: {  	s2 =	simm.s32 $0x80;
	s3 =	simm.s32 $0xC0;
	[sflag:s0] =	ssyncpa.u1 $0x0  }
0xe0: {  	[tilespmem:s3], [sflag:$0x5] =	stream.linear.gather [spmem:s2], $0x20, $0x38;
	[tilespmem:$0x11A60] =	vst v63  }
0xe1: {  	s30 =	simm.s32 $0xE0;
	s2 =	simm.s32 $0x0  }
0xe2: {  	[tilespmem:s30], [sflag:$0x5] =	stream.linear.gather [spmem:s2], $0x20, $0x38;
	[tilespmem:$0x11A60] =	vst v63  }
.Ltmp7:
0xe3: {  	_ = 	snop;
	(pc) =	sbr.rel .LBB2_12-.Ltmp7, $4  }
0xe4: {  	_ =	swait.ge [sflag:s0], $0x40  }
0xe5: {  	[sflag:s0] =	ssyncset.done $0x0  }
0xe6: {  	s31 =	simm.s32 $0x6;
	[sflag:s0] =	ssyncadd.s32 $0xFFFFFFC0  }
0xe7: {  	s3 =	simm.s32 $0x0;
	[sflag:s31] =	ssyncpa.u1 $0x0  }
.LBB2_17:
0xe8: {  	p0 =	sgt.u32 s4, $0x1FF  }
0xe9: {  	s0 =	sshrl.u32 @!p0 s4, $0x3  }
0xea: {  	s4 =	sand.u32 @!p0 $0x7, s4;
	s5 =	simm.s32 @!p0 $0xB0;
	s0 =	sadd.s32 @!p0 s1, s0  }
0xeb: {  	[tilespmem:s5], [sflag:$0x6] =	stream.linear.gather @!p0 [hbm4b:s0+s4], $0x1, $0x38;
	[tilespmem:$0x11A60] =	vst v63  }
0xec: {  	s0 =	simm.s32 @!p0 $0x6  }
0xed: {  	_ =	swait.ge @!p0 [sflag:s0], $0x1  }
0xee: {  	[sflag:s0] =	ssyncset.done @!p0 $0x0  }
0xef: {  	[sflag:s0] =	ssyncadd.s32 @!p0 $0xFFFFFFFF  }
0xf0: {  	v1 =	vld.msk @!p0 [tilespmem:$0xB0], $0x1  }
0xf1: {  	v2 =	vld.msk @!p0 [tilespmem:s3+$0xE0], $0x1;
	_ =	sdelay $0x4  }
0xf2: {  	vm0 =	vlt.s32 @!p0 v2, v1  }
0xf3: {  	v1 =	vsel @!p0 vm0, v2, v1  }
0xf4: {  	[tilespmem:s3+$0xE0] =	vst.msk @!p0 $0x1, v1  }
0xf5: {  	[tilespmem:s2+$0xC0] =	vst.msk $0x1, v0  }
0xf6: {  	v0 =	vld.msk [tilespmem:s3+$0xE0], $0x1;
	_ =	sdelay $0x4  }
0xf7: {  	[tilespmem:s2+$0xE0] =	vst.msk $0x1, v0;
	s2 =	sadd.s32 $0x1, s2  }
.LBB2_19:
0xf8: {  	s3 =	sadd.s32 $0x1, s3  }
0xf9: {  	p0 =	sne.s32 s3, $0x20  }
.Ltmp8:
0xfa: {  	_ = 	snop;
	(pc) =	sbr.rel @!p0 .LBB2_20-.Ltmp8, $1  }
0xfb: {  	_ =	sdelay $0x3  }
.LBB2_12:
0xfc: {  	v0 =	vld.msk [tilespmem:s3+$0xC0], $0x1;
	_ =	sdelay $0x4  }
0xfd: {  	(v2sf) =	vpush v0, $0x0;
	_ =	sdelay $0xe  }
0xfe: {  	s4 =	spop (v2sf)  }
0xff: {  	p0 =	seq.s32 s4, $0xFFFFFFFF  }
.Ltmp9:
0x100: {  	_ = 	snop;
	(pc) =	sbr.rel @p0 .LBB2_19-.Ltmp9, $1  }
0x101: {  	_ =	sdelay $0x3  }
0x102: {  	p0 =	slt.s32 s2, $0x1  }
.Ltmp10:
0x103: {  	_ = 	snop;
	(pc) =	sbr.rel @p0 .LBB2_17-.Ltmp10, $1  }
0x104: {  	_ =	sdelay $0x3  }
0x105: {  	s0 =	simm.s32 $0xC0;
	p0 =	por $0x0, $0x0  }
0x106: {  	v1 =	vld.msk @!p0 [tilespmem:s0+$0x0], $0x1;
	_ =	sdelay $0x4  }
0x107: {  	(v2sf) =	vpush @!p0 v1, $0x0;
	_ =	sdelay $0xd  }
0x108: {  	p2 =	sne.s32 s2, $0x1  }
.Ltmp11:
0x109: {  	s5 =	spop @!p0 (v2sf);
	(pc) =	sbr.rel @!p2 .LBB2_16-.Ltmp11, $4  }
0x10a: {  	p1 =	seq.s32 @!p0 s4, s5  }
0x10b: {  	s5 =	simm.s32 $0x0;
	p1 =	por !p1, p0  }
0x10c: {  	s7 =	simm.s32 $0xFFFFFFFF;
	s5 =	simm.s32 @p1 $0xFFFFFFFF  }
0x10d: {  	s6 =	simm.s32 $0x1;
	s5 =	smov.u32 @p0 s7  }
.LBB2_15:
0x10e: {  	s7 =	smov.u32 s5;
	p0 =	sne.s32 s5, $0xFFFFFFFF  }
0x10f: {  	s0 =	sadd.s32 $0x1, s0;
	s5 =	smov.u32 s6;
	s6 =	sadd.s32 $0x1, s6  }
0x110: {  	p1 =	sne.s32 s2, s6;
	v1 =	vld.msk @!p0 [tilespmem:s0+$0x0], $0x1;
	_ =	sdelay $0x4  }
0x111: {  	(v2sf) =	vpush @!p0 v1, $0x0;
	_ =	sdelay $0xe  }
.Ltmp12:
0x112: {  	s8 =	spop @!p0 (v2sf);
	(pc) =	sbr.rel @p1 .LBB2_15-.Ltmp12, $4  }
0x113: {  	p2 =	seq.s32 @!p0 s4, s8  }
0x114: {  	p2 =	por !p2, p0  }
0x115: {  	s5 =	simm.s32 @p2 $0xFFFFFFFF  }
0x116: {  	s5 =	smov.u32 @p0 s7  }
.LBB2_16:
0x117: {  	p0 =	sne.s32 s5, $0xFFFFFFFF  }
.Ltmp13:
0x118: {  	_ = 	snop;
	(pc) =	sbr.rel @!p0 .LBB2_17-.Ltmp13, $1  }
0x119: {  	_ =	sdelay $0x3  }
0x11a: {  	v0 =	vld.msk [tilespmem:s3+$0xE0], $0x1  }
0x11b: {  	v1 =	vld.msk [tilespmem:s5+$0xE0], $0x1;
	_ =	sdelay $0x2  }
.Ltmp14:
0x11c: {  	_ = 	snop;
	(pc) =	sbr.rel .LBB2_19-.Ltmp14, $4  }
0x11d: {  	_ = 	snop  }
0x11e: {  	vm0 =	vlt.s32 v1, v0  }
0x11f: {  	v0 =	vsel vm0, v1, v0  }
0x120: {  	[tilespmem:s5+$0xE0] =	vst.msk $0x1, v0  }
.LBB2_20:
0x121: {  	p0 =	slt.s32 s2, $0x1  }
.Ltmp15:
0x122: {  	_ = 	snop;
	(pc) =	sbr.rel @p0 .LBB2_24-.Ltmp15, $3  }
0x123: {  	_ =	sdelay $0x1  }
0x124: {  	s0 =	simm.s32 $0x6  }
0x125: {  	s3 =	simm.s32 $0x0;
	[sflag:s0] =	ssyncpa.u1 $0x1  }
0x126: {  	s0 =	simm.s32 $0xC0  }
0x127: {  	v0 =	vld.msk [tilespmem:s0+$0x0], $0x1;
	_ =	sdelay $0x4  }
0x128: {  	(v2sf) =	vpush v0, $0x0;
	_ =	sdelay $0xe  }
0x129: {  	s2 =	sadd.s32 $0xFFFFFFFF, s2;
	s4 =	spop (v2sf)  }
0x12a: {  	p1 =	sne.s32 s2, $0x0;
	p0 =	sgt.u32 s4, $0x1FF  }
.Ltmp16:
0x12b: {  	s5 =	sshrl.u32 @!p0 s4, $0x3;
	(pc) =	sbr.rel @!p1 .LBB2_23-.Ltmp16, $4  }
0x12c: {  	s0 =	simm.s32 $0xE0;
	s4 =	sand.u32 @!p0 $0x7, s4;
	s5 =	sadd.s32 @!p0 s1, s5  }
0x12d: {  	[hbm4b:s5+s4] =	stream.linear.scatter @!p0 [tilespmem:s0], [sflag:$0x5], $0x1, $0x38;
	[tilespmem:$0x11A60] =	vst v63  }
0x12e: {  	s5 =	simm.s32 $0x0  }
0x12f: {  	s4 =	simm.s32 $0xC1;
	s5 =	simm.s32 @!p0 $0x4  }
.LBB2_22:
0x130: {  	v0 =	vld.msk [tilespmem:s4+$0x0], $0x1;
	s2 =	sadd.s32 $0xFFFFFFFF, s2;
	s3 =	sadd.s32 s3, s5  }
0x131: {  	p0 =	sne.s32 s2, $0x0;
	_ =	sdelay $0x3  }
0x132: {  	(v2sf) =	vpush v0, $0x0;
	_ =	sdelay $0xe  }
.Ltmp17:
0x133: {  	s6 =	spop (v2sf);
	(pc) =	sbr.rel @p0 .LBB2_22-.Ltmp17, $4  }
0x134: {  	s5 =	simm.s32 $0x0;
	p1 =	sgt.u32 s6, $0x1FF  }
0x135: {  	s0 =	sadd.s32 $0x1, s0;
	s5 =	simm.s32 @!p1 $0x4;
	s7 =	sshrl.u32 @!p1 s6, $0x3  }
0x136: {  	s4 =	sadd.s32 $0x1, s4;
	s6 =	sand.u32 @!p1 $0x7, s6;
	s7 =	sadd.s32 @!p1 s1, s7  }
0x137: {  	[hbm4b:s7+s6] =	stream.linear.scatter @!p1 [tilespmem:s0], [sflag:$0x5], $0x1, $0x38;
	[tilespmem:$0x11A60] =	vst v63  }
.LBB2_23:
0x138: {  	s0 =	sadd.s32 s3, s5  }
0x139: {  	s3 =	sshrl.u32 s0, $0x2  }
.LBB2_24:
0x13a: {  	s0 =	simm.s32 $0x5  }
0x13b: {  	_ =	swait.ge [sflag:s0], s3  }
0x13c: {  	s1 =	ssub.s32 $0x0, s3;
	[sflag:s0] =	ssyncset.done $0x0  }
0x13d: {  	[sflag:s0] =	ssyncadd.s32 s1  }
0x13e: {  	[sflag:s0] =	ssyncpa.u1 $0x1  }
0x13f: {  	s29 =	simm.s32 $0x1;
	_ =	sfence  }
0x140: {  	s30 =	simm.s32 $0x2;
	[sflag:s29] =	ssyncpa.u1 $0x1  }
0x141: {  	[sflag:s30] =	ssyncpa.u1 $0x1  }
0x142: {  	_ =	strace $0x90000047  }
0x143: {  	[bflag:$0x2] =	sbarrier.arrive $0xFFFF  }
0x144: {  	s31 =	rddreg [dreg:$0x3]  }
0x145: {  	s0 =	sadd.s32 $0x100000, s31  }
0x146: {  	[sflag:s0] =	ssyncadd.tile.s32 $0x1;
	_ =	shalt  }
.Lfunc_end2:
_tile_overlayer_lowered:
.L_overlay_start_2:
0x147: {  	(tag) =	ssettag $0x2  }
0x148: {  	s0 =	rddreg [dreg:$0x0];
	s2 =	stileid.u32  }
0x149: {  	s1 =	rddreg [dreg:$0x1];
	p0 =	sne.s32 s2, $0x0  }
0x14a: {  	s3 =	rddreg [dreg:$0x2];
	[bflag:$0x3] =	sbarrier.arrive $0xFFFF;
	s2 =	simm.s32 @!p0 $0x1C01  }
0x14b: {  	[timem:s3], [sflag:s2] =	dma.local @!p0 [hbm:s0], s1  }
0x14c: {  	s0 =	simm.s32 @!p0 $0x1  }
0x14d: {  	_ =	swait.ge @!p0 [sflag:s0], s1  }
0x14e: {  	s1 =	ssub.s32 @!p0 $0x0, s1;
	[sflag:s0] =	ssyncset.done @!p0 $0x0  }
0x14f: {  	[sflag:s0] =	ssyncadd.s32 @!p0 s1  }
0x150: {  	[bflag:$0x3] =	sbarrier.arrive $0xFFFF  }
0x151: {  	_ =	shalt  }

</sc_bundles>
